<compile_context>
chip_gen: v7x
topology: tpu7x:2x2x1
jax: 0.10.2.dev20260603
libtpu: 0.0.44.dev20260713+nightly
codegen_flags: <defaults>
</compile_context>

<pallas_src>
import jax
import jax.numpy as jnp
from jax.experimental import pallas as pl

_N = 1024
_D = 32
_G = 32


def _probe(a_ref, out_ref, pos_ref, neg_ref):
    out_ref[:, :, :, :] = jnp.zeros((_N, 1, 8, 128), jnp.float32)
    pos_ref[:, :] = jnp.zeros((_N, 1), jnp.int32)
    neg_ref[:, :] = jnp.zeros((_N, 1), jnp.int32)


@jax.jit
def kernel(embeddings, labels):
    grid_spec = pl.GridSpec(
        grid=(_G,),
        in_specs=[pl.BlockSpec((1, _N), lambda k: (0, 0))],
        out_specs=[
            pl.BlockSpec((_N, 1, 8, 128), lambda k: (0, k, 0, 0)),
            pl.BlockSpec((_N, 1), lambda k: (0, 0)),
            pl.BlockSpec((_N, 1), lambda k: (0, 0)),
        ],
    )
    pair_diff, pos2d, neg2d = pl.pallas_call(
        _probe,
        grid_spec=grid_spec,
        out_shape=[
            jax.ShapeDtypeStruct((_N, _G, 8, 128), jnp.float32),
            jax.ShapeDtypeStruct((_N, 1), jnp.int32),
            jax.ShapeDtypeStruct((_N, 1), jnp.int32),
        ],
    )(embeddings.reshape(1, _N * _D)[:, :_N])
    return pair_diff.reshape(_N, _N, _D), pos2d.reshape(_N), neg2d.reshape(_N)

# --- scband reference (transcript-rebuilt; emitter-appended) ---
"""Pipeline reference for scband-learnable-sampling-triplet-26414048871018 (READ-ONLY COPY).

The authoritative reference and input builder live on the scoring server;
editing this copy changes nothing except your own understanding.
"""

import jax, jax.numpy as jnp
import numpy as np


def _sampler(embeddings, labels):
    # Distance-based hard triplet sampler: for each anchor i, pos_index[i] is the
    # hardest (farthest) same-label sample, neg_index[i] the hardest (closest)
    # different-label sample. This stands in for the injected `sampler` module.
    diff = embeddings[None, :, :] - embeddings[:, None, :]
    dist = jnp.sqrt(jnp.sum(diff * diff, axis=-1) + 1e-12)
    same = labels[None, :] == labels[:, None]
    eye = jnp.eye(labels.shape[0], dtype=bool)
    pos_mask = same & (~eye)
    neg_mask = ~same
    pos_d = jnp.where(pos_mask, dist, -jnp.inf)
    neg_d = jnp.where(neg_mask, dist, jnp.inf)
    pos_index = jnp.argmax(pos_d, axis=1)
    neg_index = jnp.argmin(neg_d, axis=1)
    return pos_index, neg_index


def setup_inputs(seed: int = 0) -> dict:
    key = jax.random.key(seed)
    k1, k2 = jax.random.split(key)
    embeddings = jax.random.normal(k1, (1024, 32), dtype=jnp.float32)
    labels = jax.random.randint(k2, (1024,), 0, 100, dtype=jnp.int64 if jax.config.jax_enable_x64 else jnp.int32).astype(jnp.int32)
    return {"embeddings": embeddings, "labels": labels}


def reference(embeddings, labels):
    # Faithful to the torch forward: materialize the all-pairs difference tensor
    # embeddings.unsqueeze(0) - embeddings.unsqueeze(1), then run the sampler.
    pair_diff = embeddings[None, :, :] - embeddings[:, None, :]
    pos_index, neg_index = _sampler(embeddings, labels)
    return pair_diff, pos_index, neg_index

if __name__ == "__main__":
    import jax
    _d = setup_inputs()
    print(jax.jit(kernel)(*tuple(_d.values())))

</pallas_src>

<mosaic_0001>
module attributes {stable_mosaic.version = 14 : i64} {
  func.func @_probe(%arg0: i32, %arg1: memref<1x1024xf32, #tpu.memory_space<vmem>>, %arg2: memref<1024x1x8x128xf32, #tpu.memory_space<vmem>>, %arg3: memref<1024x1xi32, #tpu.memory_space<vmem>>, %arg4: memref<1024x1xi32, #tpu.memory_space<vmem>>) attributes {dimension_semantics = [#tpu.dimension_semantics<arbitrary>], iteration_bounds = array<i64: 32>, scalar_prefetch = 0 : i64, scratch_operands = 0 : i64, tpu.core_type = #tpu.core_type<tc>, window_params = [{pipeline_mode = #tpu.pipeline_mode<synchronous>, transform_indices = @transform_0, window_bounds = array<i64: 1, 1024>}, {transform_indices = @transform_1, window_bounds = array<i64: 1024, 1, 8, 128>}, {pipeline_mode = #tpu.pipeline_mode<synchronous>, transform_indices = @transform_2, window_bounds = array<i64: 1024, 1>}, {pipeline_mode = #tpu.pipeline_mode<synchronous>, transform_indices = @transform_3, window_bounds = array<i64: 1024, 1>}]} {
    %broadcast_in_dim3A = arith.constant 0.000000e+00 : f32
    %broadcast_in_dim3A_0 = vector.broadcast %broadcast_in_dim3A : f32 to vector<1024x1x8x128xf32>
    %swap3A = arith.constant 0 : index
    %swap3A_1 = arith.constant 0 : index
    %swap3A_2 = arith.constant 0 : index
    %swap3A_3 = arith.constant 0 : index
    %swap3A_4 = vector.load %arg2[%swap3A, %swap3A_1, %swap3A_2, %swap3A_3] : memref<1024x1x8x128xf32, #tpu.memory_space<vmem>>, vector<1024x1x8x128xf32>
    tpu.vector_store %arg2[%swap3A, %swap3A_1, %swap3A_2, %swap3A_3], %broadcast_in_dim3A_0 {strides = array<i32>} : memref<1024x1x8x128xf32, #tpu.memory_space<vmem>>, vector<1024x1x8x128xf32>,
    %broadcast_in_dim3A_5 = arith.constant 0 : i32
    %broadcast_in_dim3A_6 = vector.broadcast %broadcast_in_dim3A_5 : i32 to vector<1024x1xi32>
    %swap3A_7 = arith.constant 0 : index
    %swap3A_8 = arith.constant 0 : index
    %swap3A_9 = vector.load %arg3[%swap3A_7, %swap3A_8] : memref<1024x1xi32, #tpu.memory_space<vmem>>, vector<1024x1xi32>
    tpu.vector_store %arg3[%swap3A_7, %swap3A_8], %broadcast_in_dim3A_6 {strides = array<i32>} : memref<1024x1xi32, #tpu.memory_space<vmem>>, vector<1024x1xi32>,
    %broadcast_in_dim3A_10 = arith.constant 0 : i32
    %broadcast_in_dim3A_11 = vector.broadcast %broadcast_in_dim3A_10 : i32 to vector<1024x1xi32>
    %swap3A_12 = arith.constant 0 : index
    %swap3A_13 = arith.constant 0 : index
    %swap3A_14 = vector.load %arg4[%swap3A_12, %swap3A_13] : memref<1024x1xi32, #tpu.memory_space<vmem>>, vector<1024x1xi32>
    tpu.vector_store %arg4[%swap3A_12, %swap3A_13], %broadcast_in_dim3A_11 {strides = array<i32>} : memref<1024x1xi32, #tpu.memory_space<vmem>>, vector<1024x1xi32>,
    return
  }
  func.func @transform_0(%arg0: i32) -> (i32, i32) {
    %c0_i32 = arith.constant 0 : i32
    %c0_i32_0 = arith.constant 0 : i32
    %c0_i32_1 = arith.constant 0 : i32
    return %c0_i32, %c0_i32_0 : i32, i32
  }
  func.func @transform_1(%arg0: i32) -> (i32, i32, i32, i32) {
    %c0_i32 = arith.constant 0 : i32
    %c0_i32_0 = arith.constant 0 : i32
    %c0_i32_1 = arith.constant 0 : i32
    %c0_i32_2 = arith.constant 0 : i32
    return %c0_i32, %arg0, %c0_i32_0, %c0_i32_1 : i32, i32, i32, i32
  }
  func.func @transform_2(%arg0: i32) -> (i32, i32) {
    %c0_i32 = arith.constant 0 : i32
    %c0_i32_0 = arith.constant 0 : i32
    %c0_i32_1 = arith.constant 0 : i32
    return %c0_i32, %c0_i32_0 : i32, i32
  }
  func.func @transform_3(%arg0: i32) -> (i32, i32) {
    %c0_i32 = arith.constant 0 : i32
    %c0_i32_0 = arith.constant 0 : i32
    %c0_i32_1 = arith.constant 0 : i32
    return %c0_i32, %c0_i32_0 : i32, i32
  }
}

</mosaic_0001>

<sc_bundles>
// kernel: sparse-core-data-format-call.cloned.1.call-start
scs
called_computation_lowered:
.L_overlay_start_0:
0x0: {  	s2 =	sld [smem:$0x3FD9]  }
0x1: {  	s3 =	sld [smem:$0x3FFE];
	_ =	sdelay $0x1  }
0x2: {  	s1 =	srdreg.scid  }
0x3: {  	s0 =	sand.u32 $0x1, s1  }
0x4: {  	s15 =	sshll.u32 s0, $0xA;
	s2 =	sadd.s32 s3, s2  }
0x5: {  	s2 =	sadd.s32 s2, s15  }
0x6: {  	[smem:$0x3FC7] =	sst s2  }
0x7: {  	_ = 	snop  }
0x8: {  	s2 =	sld [smem:$0x3FD0];
	_ =	sdelay $0x2  }
0x9: {  	s16 =	simm.s32 $0xA;
	s4 =	simm.s32 $0x10  }
0xa: {  	[smem:s4], [sflag:s16] =	dma.local [hbm:s2], $0x1  }
0xb: {  	_ =	swait.eq [sflag:s16], $0x1  }
0xc: {  	[sflag:s16] =	ssyncset.done $0x0  }
0xd: {  	[sflag:s16] =	ssyncadd.s32 $0xFFFFFFFF  }
0xe: {  	s17 =	sld [smem:$0x10];
	(tm) =	ssettm $0x1  }
0xf: {  	s18 =	sld [smem:$0x3FFB];
	_ =	sdelay $0x3  }
0x10: {  	_ =	strace s18  }
0x11: {  	s3 =	sld [smem:$0x3FFC];
	_ =	sdelay $0x3  }
0x12: {  	_ =	strace s3  }
0x13: {  	s3 =	sld [smem:$0x3FFD];
	_ =	sdelay $0x3  }
0x14: {  	_ =	strace s3  }
0x15: {  	_ =	strace $0x8FFFFFFF  }
0x16: {  	s19 =	sld [smem:$0x3FDB];
	_ =	sdelay $0x1  }
0x17: {  	s20 =	simm.s32 $_scs_section_size  }
0x18: {  	s5 =	simm.s32 $_size__tile_overlayer_lowered;
	s6 =	simm.s32 $_tile_overlayer_lowered  }
0x19: {  	s23 =	simm.s32 $0x1BFF;
	s22 =	sshll.u32 s6, $0x1;
	s3 =	sadd.s32 s20, s19  }
0x1a: {  	s7 =	simm.s32 $0x0;
	s21 =	sshll.u32 s5, $0x1;
	s5 =	sadd.s32 s22, s3  }
0x1b: {  	[timem:s7], [sflag:s23] =	dma.local [hbm:s5], s21  }
0x1c: {  	_ =	swait.ge [sflag:s23], s21  }
0x1d: {  	s4 =	ssub.s32 $0x0, s21;
	[sflag:s23] =	ssyncset.done $0x0  }
0x1e: {  	[sflag:s23] =	ssyncadd.s32 s4;
	_ =	sdelay $0x1  }
0x1f: {  	s24 =	simm.s32 $0x1B8B  }
0x20: {  	_ =	swait.ge [sflag:s24], $0x1  }
0x21: {  	[sflag:s24] =	ssyncset.done $0x0  }
0x22: {  	s26 =	simm.s32 $0x1B8E;
	s25 =	sld [smem:$0x3FFE];
	[sflag:s24] =	ssyncadd.s32 $0xFFFFFFFF  }
0x23: {  	s27 =	simm.s32 $execute0_lowered;
	[smem:$0x3FD2] =	sst s26  }
0x24: {  	s5 =	sshll.u32 s27, $0x1;
	_ =	strace $0x80000046;
	[dreg:$0x1] =	wrdreg $0xFFFFFFFF  }
0x25: {  	s28 =	simm.s32 $_size_execute0_lowered;
	s3 =	sadd.s32 s3, s5;
	[dreg:$0x0] =	wrdreg $0x0  }
0x26: {  	s5 =	sshll.u32 s28, $0x1;
	[dreg:$0x2] =	wrdreg s3  }
0x27: {  	[dreg:$0x3] =	wrdreg s5  }
0x28: {  	[dreg:$0x4] =	wrdreg $0xC0  }
0x29: {  	_ =	task [dreg:s7], $0x5FFFF  }
0x2a: {  	[dreg:$0x1] =	wrdreg $0xFFFFFFFF  }
0x2b: {  	[dreg:$0x0] =	wrdreg $0x60  }
0x2c: {  	[dreg:$0x2] =	wrdreg s25  }
0x2d: {  	[dreg:$0x3] =	wrdreg s17  }
0x2e: {  	[dreg:$0x4] =	wrdreg $0x9  }
0x2f: {  	_ =	task.clear_ibuf [dreg:s7], $0x5FFFF;
	_ =	strace $0x90000046  }
0x30: {  	s29 =	simm.s32 $0x9;
	_ =	strace $0x80000048  }
0x31: {  	_ =	swait.ge [sflag:s29], $0x1  }
0x32: {  	[sflag:s29] =	ssyncadd.s32 $0xFFFFFFFF  }
0x33: {  	_ =	strace $0x90000048  }
0x34: {  	_ =	sfence  }
0x35: {  	s30 =	sld [smem:$0x0];
	_ =	sdelay $0x2  }
0x36: {  	s31 =	sshll.u32 s1, $0xD;
	s1 =	sshrl.u32 s1, $0x2  }
0x37: {  	s3 =	sand.u32 $0x4000, s31;
	s1 =	sadd.s32 s1, s30  }
0x38: {  	s0 =	sor.u32 s3, s0;
	s1 =	sshll.u32 s1, $0x11  }
0x39: {  	s0 =	sor.u32 s1, s0  }
0x3a: {  	s0 =	sadd.s32 $0x8F2B, s0  }
0x3b: {  	[sflag:s0] =	ssyncadd.remote.s32 $0x1  }
0x3c: {  	_ =	sfence.sel $0xFFFF  }
0x3d: {  	[dreg:$0x0] =	wrdreg $0xFFFFFFFF;
	(pc) =	sbr.abs _section_cstart, $3  }
0x3e: {  	[dreg:$0x1] =	wrdreg $0xFFFFFFFF  }
0x3f: {  	_ =	task.clear_ibuf [dreg:s7], $0x2FFFF;
	_ =	strace $0x9FFFFFFF  }
0x40: {  	(tm) =	ssettm $0x7FFFFFFF  }
0x41: {  	_ =	shalt  }
tec
execute0_lowered:
.L_overlay_start_1:
0x0: {  	(tag) =	ssettag $0x1  }
0x1: {  	s4 =	rddreg [dreg:$0x0]  }
0x2: {  	s0 =	stileid.u32;
	s2 =	rddreg [dreg:$0x1]  }
0x3: {  	s1 =	rddreg [dreg:$0x2];
	_ =	strace $0x80000047;
	s5 =	srdreg.scid  }
0x4: {  	s31 =	simm.s32 $0x2;
	s14 =	simm.s32 $0x0;
	s9 =	simm.s32 $0x8000  }
0x5: {  	s16 =	simm.s32 $0x0;
	s15 =	simm.s32 $0x0;
	s3 =	sshll.u32 s0, $0x7  }
0x6: {  	s10 =	simm.s32 $0x0;
	s5 =	sshll.u32 s5, $0x4;
	s3 =	sand.u32 $0x380, s3  }
0x7: {  	s13 =	simm.s32 $0x0;
	s5 =	sand.u32 $0x10, s5;
	s6 =	ssub.s32 $0x400, s3  }
0x8: {  	s4 =	sadd.s32 $0x8400, s4;
	s5 =	sor.u32 s0, s5;
	s7 =	sand.u32 $0x380, s6  }
.Ltmp0:
0x9: {  	p0 =	sne.s32 s7, $0x0;
	s7 =	simm.s32 $0x1;
	(pc) =	sbr.rel .LBB1_1-.Ltmp0, $4  }
0xa: {  	s12 =	smov.u32 s3;
	s8 =	sshrl.u32 s6, $0xA;
	s7 =	simm.s32 @!p0 $0x0  }
0xb: {  	s5 =	sshrl.u32 s5, $0x3;
	s6 =	simm.s32 $0x1;
	s7 =	sadd.s32 s7, s8  }
0xc: {  	[sflag:s6] =	ssyncpa.u1 $0x0;
	s11 =	smov.u32 s5;
	s7 =	sshll.u32 s7, $0x6  }
0xd: {  	[sflag:s31] =	ssyncpa.u1 $0x0;
	p0 =	por $0x0, $0x0;
	s8 =	sor.u32 $0x1, s7  }
.LBB1_4:
0xe: {  	v5 =	vld [tilespmem:s20+$0xFFFFFFD0];
	[tilespmem:s19+$0x2040 ss:$0x81] =	vst.msk $0xffff, v1  }
0xf: {  	v58 =	vld [tilespmem:s20+$0xFFFFFFE0];
	[tilespmem:s19+$0x2850 ss:$0x81] =	vst.msk $0xffff, v2  }
0x10: {  	s21 =	sshra.s32 s21, $0x2;
	v59 =	vld [tilespmem:s20+$0xFFFFFFF0];
	[tilespmem:s19+$0x3060 ss:$0x81] =	vst.msk $0xffff, v3  }
0x11: {  	v60 =	vld [tilespmem:s20+$0x0];
	[tilespmem:s19+$0x0 ss:$0x81] =	vst.msk $0xffff, v0;
	s18 =	sadd.s32 s21, s18  }
0x12: {  	v61 =	vld [tilespmem:s20+$0x10];
	[tilespmem:s18+$0x3870 ss:$0x81] =	vst.msk $0xffff, v4  }
0x13: {  	v62 =	vld [tilespmem:s20+$0x20];
	s26 =	sshll.u32 s16, $0xA;
	s27 =	sshll.u32 s15, $0x3;
	[tilespmem:s18+$0x810 ss:$0x81] =	vst.msk $0xffff, v5  }
0x14: {  	v63 =	vld [tilespmem:s20+$0xFFFFFFC0];
	s29 =	sshll.u32 s16, $0x7;
	s30 =	sand.u32 $0x78, s15;
	s14 =	sshll.u32 s14, $0xC;
	[tilespmem:s18+$0x1020 ss:$0x81] =	vst.msk $0xffff, v58  }
0x15: {  	s19 =	sand.u32 $0x6000, s26;
	s28 =	sand.u32 $0x7C00, s27;
	s16 =	sand.u32 $0x380, s29;
	[tilespmem:s18+$0x1830 ss:$0x81] =	vst.msk $0xffff, v59  }
0x16: {  	s31 =	sand.u32 $0x7, s15;
	s19 =	sadd.s32 s28, s19;
	s16 =	sor.u32 s30, s16;
	[tilespmem:s18+$0x2040 ss:$0x81] =	vst.msk $0xffff, v60  }
0x17: {  	s14 =	sadd.s32 s2, s14;
	s19 =	sshrl.u32 s19, $0x3;
	s16 =	sshrl.u32 s16, $0x3;
	[tilespmem:s18+$0x2850 ss:$0x81] =	vst.msk $0xffff, v61  }
0x18: {  	s15 =	sshll.u32 s31, $0x12;
	s19 =	sand.u32 $0xF80, s19;
	s14 =	sadd.s32 s16, s14;
	[tilespmem:s18+$0x3060 ss:$0x81] =	vst.msk $0xffff, v62  }
0x19: {  	s15 =	sor.u32 $0x80, s15;
	[tilespmem:s18+$0x0 ss:$0x81] =	vst.msk $0xffff, v63;
	s14 =	sadd.s32 s19, s14  }
0x1a: {  	[hbm4b:s14+s15] =	stream.strided.scatter [tilespmem:s17], [sflag:$0x2], $0x4000, s9, s15, $0x20;
	[tilespmem:$0x10100] =	vst v63  }
.LBB1_5:
0x1b: {  	s17 =	sadd.s32 $0x80, s10  }
0x1c: {  	s14 =	sadd.s32 $0x4, s11;
	s18 =	smov.u32 s11;
	p2 =	sgt.s32 s17, $0x3FF  }
0x1d: {  	s18 =	smov.u32 @p2 s14  }
0x1e: {  	s20 =	smov.u32 s12;
	s14 =	sadd.s32 $0x400, s12;
	p3 =	sgt.s32 s18, $0x1F  }
0x1f: {  	s20 =	smov.u32 @p3 s14  }
0x20: {  	s17 =	simm.s32 @p2 $0x0;
	p2 =	sgt.s32 s20, $0x3FF  }
0x21: {  	p1 =	slt.u32 s13, $0x2;
	s20 =	smov.u32 @p2 s3;
	p2 =	sne.s32 s13, s8  }
.Ltmp1:
0x22: {  	s19 =	simm.s32 @!p1 $0x2;
	(pc) =	sbr.rel @!p2 .LBB1_6-.Ltmp1, $4  }
0x23: {  	s16 =	smov.u32 s11;
	s15 =	smov.u32 s12;
	_ =	swait.ge @!p1 [sflag:s19], $0x4000  }
0x24: {  	p0 =	por !p0, !p0;
	[sflag:s19] =	ssyncset.done @!p1 $0x0;
	s18 =	smov.u32 @p3 s5  }
0x25: {  	s14 =	smov.u32 s10;
	[sflag:s19] =	ssyncadd.s32 @!p1 $0xFFFFC000;
	s10 =	smov.u32 s17  }
0x26: {  	s11 =	smov.u32 s18;
	s13 =	sadd.s32 $0x1, s13;
	s12 =	smov.u32 s20  }
.LBB1_1:
0x27: {  	p1 =	sge.u32 s13, s7  }
0x28: {  	s31 =	sadd.s32 $0xFFFFFFFF, s13;
	s17 =	sshll.u32 @!p1 s11, $0x7  }
0x29: {  	s18 =	sxor.u32 @!p1 $0xFFFFFFFF, s13;
	s19 =	sand.u32 @!p1 $0x78, s10;
	s20 =	sand.u32 @!p1 $0x380, s17  }
0x2a: {  	s18 =	sshll.u32 @!p1 s18, $0xE;
	s19 =	sor.u32 @!p1 s19, s20;
	s20 =	sshll.u32 @!p1 s12, $0xC  }
0x2b: {  	s17 =	sand.u32 @!p1 $0xC00, s17;
	s19 =	sshrl.u32 @!p1 s19, $0x3;
	s20 =	sadd.s32 @!p1 s4, s20  }
0x2c: {  	s17 =	sadd.s32 @!p1 s10, s17;
	s19 =	sadd.s32 @!p1 s19, s20;
	s20 =	sand.u32 @!p1 $0x7, s10  }
0x2d: {  	s18 =	sand.u32 @!p1 $0x4000, s18;
	s17 =	sand.u32 @!p1 $0xF80, s17;
	s20 =	sshll.u32 @!p1 s20, $0x12  }
0x2e: {  	s17 =	sadd.s32 @!p1 s17, s19;
	s19 =	sor.u32 @!p1 $0x80, s20;
	s20 =	simm.s32 @!p1 $0x8000  }
0x2f: {  	[tilespmem:s18], [sflag:$0x1] =	stream.strided.gather @!p1 [hbm4b:s17+s19], $0x4000, s20, s19, $0x38;
	[tilespmem:$0x10100] =	vst v63  }
0x30: {  	p1 =	sge.u32 s31, s7  }
.Ltmp2:
0x31: {  	_ = 	snop;
	(pc) =	sbr.rel @p1 .LBB1_5-.Ltmp2, $1  }
0x32: {  	_ =	sdelay $0x3  }
0x33: {  	s17 =	simm.s32 $0x1  }
0x34: {  	_ =	swait.ge [sflag:s6], $0x4000;
	s17 =	simm.s32 @!p0 $0x0  }
0x35: {  	[sflag:s6] =	ssyncset.done $0x0;
	s18 =	sshll.u32 s17, $0xE  }
0x36: {  	[sflag:s6] =	ssyncadd.s32 $0xFFFFC000;
	s20 =	sor.u32 $0x40, s18  }
0x37: {  	s17 =	smul.u32 $0x10200, s17;
	v0 =	vld [tilespmem:s20+$0x30]  }
0x38: {  	v3 =	vld [tilespmem:s20+$0xFFFFFFD0]  }
0x39: {  	s17 =	sshrl.u32 s17, $0x2;
	v4 =	vld [tilespmem:s20+$0xFFFFFFE0]  }
0x3a: {  	v5 =	vld [tilespmem:s20+$0xFFFFFFF0];
	s18 =	sor.u32 $0x8000, s17  }
0x3b: {  	s31 =	sand.u32 $0x1, s13;
	v1 =	vld [tilespmem:s20+$0x0];
	s19 =	sadd.s32 $0x0, s18  }
0x3c: {  	v2 =	vld [tilespmem:s20+$0x10];
	s17 =	smul.u32 $0x10200, s31;
	[tilespmem:s19+$0x3870 ss:$0x81] =	vst.msk $0xffff, v0  }
0x3d: {  	[tilespmem:s19+$0x810 ss:$0x81] =	vst.msk $0xffff, v3;
	v3 =	vld [tilespmem:s20+$0x20]  }
0x3e: {  	s17 =	sshrl.u32 s17, $0x2;
	v0 =	vld [tilespmem:s20+$0xFFFFFFC0];
	[tilespmem:s19+$0x1020 ss:$0x81] =	vst.msk $0xffff, v4;
	s20 =	sadd.s32 $0x80, s20  }
0x3f: {  	s21 =	simm.s32 $0x4;
	s22 =	simm.s32 $0x8;
	s17 =	sor.u32 $0x8000, s17;
	[tilespmem:s19+$0x1830 ss:$0x81] =	vst.msk $0xffff, v5;
	v4 =	vld [tilespmem:s20+$0x30]  }
.LBB1_3:
0x40: {  	p1 =	sne.s32 s22, $0x1FC;
	v5 =	vld [tilespmem:s20+$0xFFFFFFD0];
	[tilespmem:s19+$0x2040 ss:$0x81] =	vst.msk $0xffff, v1  }
0x41: {  	v6 =	vld [tilespmem:s20+$0xFFFFFFE0];
	[tilespmem:s19+$0x2850 ss:$0x81] =	vst.msk $0xffff, v2  }
0x42: {  	s23 =	sshra.s32 s21, $0x2;
	s21 =	smov.u32 s22;
	v7 =	vld [tilespmem:s20+$0xFFFFFFF0];
	[tilespmem:s19+$0x3060 ss:$0x81] =	vst.msk $0xffff, v3  }
.Ltmp3:
0x43: {  	v1 =	vld [tilespmem:s20+$0x0];
	[tilespmem:s19+$0x0 ss:$0x81] =	vst.msk $0xffff, v0;
	s19 =	sadd.s32 s23, s18;
	(pc) =	sbr.rel @p1 .LBB1_3-.Ltmp3, $4  }
0x44: {  	v2 =	vld [tilespmem:s20+$0x10];
	[tilespmem:s19+$0x3870 ss:$0x81] =	vst.msk $0xffff, v4  }
0x45: {  	[tilespmem:s19+$0x810 ss:$0x81] =	vst.msk $0xffff, v5;
	v3 =	vld [tilespmem:s20+$0x20]  }
0x46: {  	v0 =	vld [tilespmem:s20+$0xFFFFFFC0];
	[tilespmem:s19+$0x1020 ss:$0x81] =	vst.msk $0xffff, v6;
	s20 =	sadd.s32 $0x80, s20  }
0x47: {  	s22 =	sadd.s32 $0x4, s22;
	v4 =	vld [tilespmem:s20+$0x30];
	[tilespmem:s19+$0x1830 ss:$0x81] =	vst.msk $0xffff, v7  }
.Ltmp4:
0x48: {  	_ = 	snop;
	(pc) =	sbr.rel .LBB1_4-.Ltmp4, $1  }
0x49: {  	_ =	sdelay $0x3  }
.LBB1_6:
0x4a: {  	_ =	sfence.sel $0x180000  }
0x4b: {  	s2 =	simm.s32 $0x1;
	[bflag:$0x0] =	sbarrier.arrive $0xFFFF  }
0x4c: {  	s31 =	simm.s32 $0x2;
	[sflag:s2] =	ssyncpa.u1 $0x1  }
0x4d: {  	[sflag:s31] =	ssyncpa.u1 $0x1  }
0x4e: {  	p0 =	sne.s32 s0, $0x0;
	_ =	strace $0x90000047  }
0x4f: {  	s0 =	sadd.s32 @!p0 $0x100000, s1;
	[bflag:$0x2] =	sbarrier.arrive $0xFFFF  }
0x50: {  	[sflag:s0] =	ssyncadd.tile.s32 @!p0 $0x1;
	_ =	shalt  }
.Lfunc_end1:
_tile_overlayer_lowered:
.L_overlay_start_2:
0x51: {  	(tag) =	ssettag $0x2  }
0x52: {  	s0 =	rddreg [dreg:$0x0];
	s2 =	stileid.u32  }
0x53: {  	s1 =	rddreg [dreg:$0x1];
	p0 =	sne.s32 s2, $0x0  }
0x54: {  	s3 =	rddreg [dreg:$0x2];
	[bflag:$0x3] =	sbarrier.arrive $0xFFFF;
	s2 =	simm.s32 @!p0 $0x1C01  }
0x55: {  	[timem:s3], [sflag:s2] =	dma.local @!p0 [hbm:s0], s1  }
0x56: {  	s0 =	simm.s32 @!p0 $0x1  }
0x57: {  	_ =	swait.ge @!p0 [sflag:s0], s1  }
0x58: {  	s1 =	ssub.s32 @!p0 $0x0, s1;
	[sflag:s0] =	ssyncset.done @!p0 $0x0  }
0x59: {  	[sflag:s0] =	ssyncadd.s32 @!p0 s1  }
0x5a: {  	[bflag:$0x3] =	sbarrier.arrive $0xFFFF  }
0x5b: {  	_ =	shalt  }

</sc_bundles>
